<compile_context>
chip_gen: v7x
topology: tpu7x:2x2x1
jax: 0.10.2.dev20260603
libtpu: 0.0.44.dev20260713+nightly
codegen_flags: <defaults>
</compile_context>

<pallas_src>
import jax
import jax.numpy as jnp
from jax import lax
from jax.experimental import pallas as pl


def kernel(input, table):
    B, S, D = input.shape
    V = table.shape[0]
    F = S * D
    BB = 128

    tbl2 = jnp.reshape(table, (1, V * D))

    def body(t_ref, out_ref):
        emb = t_ref[:, :F]
        out_ref[...] = jnp.broadcast_to(emb, (BB, F))

    out2 = pl.pallas_call(
        body,
        grid=(B // BB,),
        in_specs=[pl.BlockSpec((1, V * D), lambda i: (0, 0))],
        out_specs=pl.BlockSpec((BB, F), lambda i: (i, 0)),
        out_shape=jax.ShapeDtypeStruct((B, F), jnp.float32),
    )(tbl2)
    out2 = lax.optimization_barrier(out2)
    return jnp.reshape(out2, (B, S, D))

# --- scband reference (transcript-rebuilt; emitter-appended) ---
"""Pipeline reference for scband-learned-positional-embedding-22505628631655 (READ-ONLY COPY).

The authoritative reference and input builder live on the scoring server;
editing this copy changes nothing except your own understanding.
"""

import jax, jax.numpy as jnp
import numpy as np


def setup_inputs(seed: int = 0) -> dict:
    key = jax.random.key(seed)
    k1, k2 = jax.random.split(key)
    x = jax.random.normal(k1, (4096, 200, 64), dtype=jnp.float32)
    # learned positional embedding table: [maximum_position=512, embedding_dim=64]
    table = jax.random.normal(k2, (512, 64), dtype=jnp.float32) * 0.02
    return {"input": x, "table": table}


def reference(input, table):
    # seq_len from input's second dim
    seq_len = input.shape[1]
    positions = jnp.arange(seq_len, dtype=jnp.int32)
    # embedding lookup: gather rows of the table
    emb = jnp.take(table, positions, axis=0)  # [seq_len, dim]
    # expand_as(input): broadcast over batch dimension
    return jnp.broadcast_to(emb[None, :, :], input.shape)

if __name__ == "__main__":
    import jax
    _d = setup_inputs()
    print(jax.jit(kernel)(*tuple(_d.values())))

</pallas_src>

<mosaic_0001>
module attributes {stable_mosaic.version = 14 : i64} {
  func.func @body(%arg0: i32, %arg1: memref<1x32768xf32, #tpu.memory_space<vmem>>, %arg2: memref<128x12800xf32, #tpu.memory_space<vmem>>) attributes {dimension_semantics = [#tpu.dimension_semantics<arbitrary>], iteration_bounds = array<i64: 32>, scalar_prefetch = 0 : i64, scratch_operands = 0 : i64, tpu.core_type = #tpu.core_type<tc>, window_params = [{pipeline_mode = #tpu.pipeline_mode<synchronous>, transform_indices = @transform_0, window_bounds = array<i64: 1, 32768>}, {transform_indices = @transform_1, window_bounds = array<i64: 128, 12800>}]} {
    %get3A = arith.constant 0 : index
    %get3A_0 = arith.constant 0 : index
    %get3A_1 = vector.load %arg1[%get3A, %get3A_0] : memref<1x32768xf32, #tpu.memory_space<vmem>>, vector<1x12800xf32>
    %broadcast_in_dim3A = vector.shape_cast %get3A_1 : vector<1x12800xf32> to vector<1x12800xf32>
    %broadcast_in_dim3A_2 = vector.broadcast %broadcast_in_dim3A : vector<1x12800xf32> to vector<128x12800xf32>
    %swap3A = arith.constant 0 : index
    %swap3A_3 = arith.constant 0 : index
    %swap3A_4 = vector.load %arg2[%swap3A, %swap3A_3] : memref<128x12800xf32, #tpu.memory_space<vmem>>, vector<128x12800xf32>
    tpu.vector_store %arg2[%swap3A, %swap3A_3], %broadcast_in_dim3A_2 {strides = array<i32>} : memref<128x12800xf32, #tpu.memory_space<vmem>>, vector<128x12800xf32>,
    return
  }
  func.func @transform_0(%arg0: i32) -> (i32, i32) {
    %c0_i32 = arith.constant 0 : i32
    %c0_i32_0 = arith.constant 0 : i32
    %c0_i32_1 = arith.constant 0 : i32
    return %c0_i32, %c0_i32_0 : i32, i32
  }
  func.func @transform_1(%arg0: i32) -> (i32, i32) {
    %c0_i32 = arith.constant 0 : i32
    %c0_i32_0 = arith.constant 0 : i32
    return %arg0, %c0_i32 : i32, i32
  }
}

</mosaic_0001>

<sc_bundles>
// kernel: sparse-core-data-format-call.cloned.1.call-start
scs
called_computation_lowered:
.L_overlay_start_0:
0x0: {  	s2 =	sld [smem:$0x3FD9]  }
0x1: {  	s3 =	sld [smem:$0x3FFE];
	_ =	sdelay $0x1  }
0x2: {  	s1 =	srdreg.scid  }
0x3: {  	s0 =	sand.u32 $0x1, s1  }
0x4: {  	s18 =	sshll.u32 s0, $0xA;
	s2 =	sadd.s32 s3, s2  }
0x5: {  	s2 =	sadd.s32 s2, s18  }
0x6: {  	[smem:$0x3FC7] =	sst s2  }
0x7: {  	_ = 	snop  }
0x8: {  	s2 =	sld [smem:$0x3FD0];
	(tm) =	ssettm $0x1  }
0x9: {  	s19 =	sld [smem:$0x3FFB];
	_ =	sdelay $0x3  }
0xa: {  	_ =	strace s19  }
0xb: {  	s3 =	sld [smem:$0x3FFC];
	_ =	sdelay $0x3  }
0xc: {  	_ =	strace s3  }
0xd: {  	s3 =	sld [smem:$0x3FFD];
	_ =	sdelay $0x3  }
0xe: {  	_ =	strace s3  }
0xf: {  	_ =	strace $0x8FFFFFFF  }
0x10: {  	s20 =	sld [smem:$0x3FDB];
	_ =	sdelay $0x1  }
0x11: {  	s4 =	simm.s32 $_scs_section_size  }
0x12: {  	s5 =	simm.s32 $_size__tile_overlayer_lowered;
	s6 =	simm.s32 $_tile_overlayer_lowered  }
0x13: {  	s23 =	simm.s32 $0x1BFF;
	s22 =	sshll.u32 s6, $0x1;
	s3 =	sadd.s32 s4, s20  }
0x14: {  	s7 =	simm.s32 $0x0;
	s21 =	sshll.u32 s5, $0x1;
	s5 =	sadd.s32 s22, s3  }
0x15: {  	[timem:s7], [sflag:s23] =	dma.local [hbm:s5], s21  }
0x16: {  	_ =	swait.ge [sflag:s23], s21  }
0x17: {  	s4 =	ssub.s32 $0x0, s21;
	[sflag:s23] =	ssyncset.done $0x0  }
0x18: {  	[sflag:s23] =	ssyncadd.s32 s4;
	_ =	sdelay $0x1  }
0x19: {  	s24 =	simm.s32 $0x1B8B  }
0x1a: {  	_ =	swait.ge [sflag:s24], $0x1  }
0x1b: {  	[sflag:s24] =	ssyncset.done $0x0  }
0x1c: {  	s26 =	simm.s32 $0x1B8E;
	s25 =	sld [smem:$0x3FFE];
	[sflag:s24] =	ssyncadd.s32 $0xFFFFFFFF  }
0x1d: {  	s27 =	simm.s32 $execute0_lowered;
	[smem:$0x3FD2] =	sst s26  }
0x1e: {  	s5 =	sshll.u32 s27, $0x1;
	_ =	strace $0x80000046;
	[dreg:$0x1] =	wrdreg $0xFFFFFFFF  }
0x1f: {  	s28 =	simm.s32 $_size_execute0_lowered;
	s3 =	sadd.s32 s3, s5;
	[dreg:$0x0] =	wrdreg $0x0  }
0x20: {  	s5 =	sshll.u32 s28, $0x1;
	[dreg:$0x2] =	wrdreg s3  }
0x21: {  	[dreg:$0x3] =	wrdreg s5  }
0x22: {  	[dreg:$0x4] =	wrdreg $0xC0  }
0x23: {  	_ =	task [dreg:s7], $0x5FFFF  }
0x24: {  	[dreg:$0x1] =	wrdreg $0xFFFFFFFF  }
0x25: {  	[dreg:$0x0] =	wrdreg $0x60  }
0x26: {  	[dreg:$0x2] =	wrdreg s25  }
0x27: {  	[dreg:$0x3] =	wrdreg s2  }
0x28: {  	[dreg:$0x4] =	wrdreg $0x9  }
0x29: {  	_ =	task.clear_ibuf [dreg:s7], $0x5FFFF;
	_ =	strace $0x90000046  }
0x2a: {  	s29 =	simm.s32 $0x9;
	_ =	strace $0x80000048  }
0x2b: {  	_ =	swait.ge [sflag:s29], $0x1  }
0x2c: {  	[sflag:s29] =	ssyncadd.s32 $0xFFFFFFFF  }
0x2d: {  	_ =	strace $0x90000048  }
0x2e: {  	_ =	sfence  }
0x2f: {  	s30 =	sld [smem:$0x0];
	_ =	sdelay $0x2  }
0x30: {  	s31 =	sshll.u32 s1, $0xD;
	s1 =	sshrl.u32 s1, $0x2  }
0x31: {  	s3 =	sand.u32 $0x4000, s31;
	s1 =	sadd.s32 s1, s30  }
0x32: {  	s0 =	sor.u32 s3, s0;
	s1 =	sshll.u32 s1, $0x11  }
0x33: {  	s0 =	sor.u32 s1, s0  }
0x34: {  	s0 =	sadd.s32 $0x8F2B, s0  }
0x35: {  	[sflag:s0] =	ssyncadd.remote.s32 $0x1  }
0x36: {  	_ =	sfence.sel $0xFFFF  }
0x37: {  	[dreg:$0x0] =	wrdreg $0xFFFFFFFF;
	(pc) =	sbr.abs _section_cstart, $3  }
0x38: {  	[dreg:$0x1] =	wrdreg $0xFFFFFFFF  }
0x39: {  	_ =	task.clear_ibuf [dreg:s7], $0x2FFFF;
	_ =	strace $0x9FFFFFFF  }
0x3a: {  	(tm) =	ssettm $0x7FFFFFFF  }
0x3b: {  	_ =	shalt  }
tec
execute0_lowered:
.L_overlay_start_1:
0x0: {  	(tag) =	ssettag $0x1  }
0x1: {  	s0 =	srdreg.scid  }
0x2: {  	s1 =	sshll.u32 s0, $0x4  }
0x3: {  	s0 =	stileid.u32;
	s1 =	sand.u32 $0x10, s1  }
0x4: {  	s1 =	sor.u32 s0, s1  }
0x5: {  	s6 =	rddreg [dreg:$0x0];
	s4 =	simm.s32 $0x1;
	s2 =	sshll.u32 s1, $0x7  }
0x6: {  	s7 =	simm.s32 $0x2;
	s13 =	simm.s32 $0x0;
	s1 =	ssub.s32 $0x1000, s2  }
0x7: {  	s8 =	simm.s32 $0x8000;
	s12 =	simm.s32 $0x0;
	s3 =	sand.u32 $0xF80, s1  }
0x8: {  	s9 =	simm.s32 $0x0;
	s5 =	sshrl.u32 s1, $0xC;
	p0 =	sne.s32 s3, $0x0  }
.Ltmp0:
0x9: {  	s1 =	rddreg [dreg:$0x2];
	s4 =	simm.s32 @!p0 $0x0;
	(pc) =	sbr.rel .LBB1_1-.Ltmp0, $4  }
0xa: {  	s11 =	simm.s32 $0x0;
	s3 =	rddreg [dreg:$0x1];
	s5 =	sadd.s32 s4, s5  }
0xb: {  	_ =	strace $0x80000047;
	s4 =	simm.s32 $0x1;
	s5 =	smul.u32 $0x64, s5  }
0xc: {  	s6 =	sadd.s32 $0x400, s6;
	s10 =	smov.u32 s2;
	[sflag:s4] =	ssyncpa.u1 $0x0  }
0xd: {  	p0 =	por $0x0, $0x0;
	[sflag:s7] =	ssyncpa.u1 $0x0;
	s7 =	sor.u32 $0x1, s5  }
.LBB1_4:
0xe: {  	v5 =	vld [tilespmem:s17+$0xFFFFFFD0];
	[tilespmem:s16+$0x2040 ss:$0x81] =	vst.msk $0xffff, v4;
	s19 =	sshll.u32 s13, $0xC;
	s20 =	sshll.u32 s12, $0x3  }
0xf: {  	v58 =	vld [tilespmem:s17+$0xFFFFFFE0];
	[tilespmem:s16+$0x2850 ss:$0x81] =	vst.msk $0xffff, v3;
	s19 =	sand.u32 $0xFFFF8000, s19;
	s21 =	sand.u32 $0xFFFFFC00, s20  }
0x10: {  	s18 =	sshra.s32 s18, $0x2;
	v59 =	vld [tilespmem:s17+$0xFFFFFFF0];
	[tilespmem:s16+$0x3060 ss:$0x81] =	vst.msk $0xffff, v2;
	s19 =	sadd.s32 s21, s19  }
0x11: {  	v60 =	vld [tilespmem:s17+$0x0];
	[tilespmem:s16+$0x0 ss:$0x81] =	vst.msk $0xffff, v0;
	s15 =	sadd.s32 s18, s15;
	s26 =	sshrl.u32 s19, $0xC  }
0x12: {  	v61 =	vld [tilespmem:s17+$0x10];
	[tilespmem:s15+$0x3870 ss:$0x81] =	vst.msk $0xffff, v1;
	s27 =	smulhi.u32 $0xA3D71, s26  }
0x13: {  	v62 =	vld [tilespmem:s17+$0x20];
	s28 =	sand.u32 $0x78, s12;
	[tilespmem:s15+$0x810 ss:$0x81] =	vst.msk $0xffff, v5  }
0x14: {  	v63 =	vld [tilespmem:s17+$0xFFFFFFC0];
	s29 =	sshll.u32 s13, $0x7;
	s30 =	sand.u32 $0xC00, s20;
	[tilespmem:s15+$0x1020 ss:$0x81] =	vst.msk $0xffff, v58;
	s18 =	sshrl.u32 s27, $0x1  }
0x15: {  	s13 =	sand.u32 $0x380, s29;
	s17 =	sor.u32 s28, s30;
	[tilespmem:s15+$0x1830 ss:$0x81] =	vst.msk $0xffff, v59;
	s18 =	smul.u32 $0x3200, s18  }
0x16: {  	s13 =	sor.u32 s13, s17;
	[tilespmem:s15+$0x2040 ss:$0x81] =	vst.msk $0xffff, v60  }
0x17: {  	s31 =	sand.u32 $0x7, s12;
	s13 =	sshrl.u32 s13, $0x3;
	[tilespmem:s15+$0x2850 ss:$0x81] =	vst.msk $0xffff, v61;
	s16 =	ssub.s32 s26, s18  }
0x18: {  	s12 =	sshll.u32 s31, $0x12;
	[tilespmem:s15+$0x3060 ss:$0x81] =	vst.msk $0xffff, v62;
	s13 =	sadd.s32 s3, s13;
	s16 =	sshll.u32 s16, $0x9  }
0x19: {  	s12 =	sor.u32 $0x400, s12;
	[tilespmem:s15+$0x0 ss:$0x81] =	vst.msk $0xffff, v63;
	s13 =	sadd.s32 s16, s13  }
0x1a: {  	[hbm4b:s13+s12] =	stream.strided.scatter [tilespmem:s14], [sflag:$0x2], $0x4000, s8, s12, $0x20;
	[tilespmem:$0x10100] =	vst v63  }
.LBB1_5:
0x1b: {  	s14 =	sadd.s32 $0x80, s9  }
0x1c: {  	s12 =	sadd.s32 $0x1000, s10;
	s16 =	smov.u32 s10;
	p2 =	sgt.s32 s14, $0x31FF  }
0x1d: {  	s16 =	smov.u32 @p2 s12  }
0x1e: {  	s14 =	simm.s32 @p2 $0x0;
	p2 =	sgt.s32 s16, $0xFFF  }
0x1f: {  	s16 =	smov.u32 @p2 s2;
	p2 =	sne.s32 s11, s7  }
.Ltmp1:
0x20: {  	p1 =	slt.u32 s11, $0x2;
	(pc) =	sbr.rel @!p2 .LBB1_6-.Ltmp1, $4  }
0x21: {  	s15 =	simm.s32 @!p1 $0x2  }
0x22: {  	s13 =	smov.u32 s9;
	p0 =	por !p0, !p0;
	_ =	swait.ge @!p1 [sflag:s15], $0x4000  }
0x23: {  	s12 =	smov.u32 s10;
	[sflag:s15] =	ssyncset.done @!p1 $0x0;
	s9 =	smov.u32 s14  }
0x24: {  	s11 =	sadd.s32 $0x1, s11;
	[sflag:s15] =	ssyncadd.s32 @!p1 $0xFFFFC000;
	s10 =	smov.u32 s16  }
.LBB1_1:
0x25: {  	p1 =	sge.u32 s11, s5  }
0x26: {  	s14 =	sshrl.u32 @!p1 s10, $0x3  }
0x27: {  	s15 =	sshll.u32 @!p1 s9, $0x3;
	s14 =	smul.u32 @!p1 $0x19000, s14  }
0x28: {  	s16 =	sshll.u32 @!p1 s10, $0x7;
	s15 =	sand.u32 @!p1 $0xFFFFFC00, s15  }
0x29: {  	s14 =	sadd.s32 @!p1 s14, s15;
	s15 =	sand.u32 @!p1 $0x380, s16  }
0x2a: {  	s16 =	sand.u32 @!p1 $0x7F, s9;
	s14 =	sor.u32 @!p1 s15, s14  }
0x2b: {  	s15 =	sor.u32 @!p1 s16, s14  }
0x2c: {  	s16 =	smulhi.u32 @!p1 $0x51EB851F, s15;
	_ =	sdelay $0x1  }
0x2d: {  	s14 =	smulhi.u32 @!p1 $0x51EB851F, s14;
	s16 =	sshrl.u32 @!p1 s16, $0xC  }
0x2e: {  	s16 =	smul.u32 @!p1 $0x3200, s16  }
0x2f: {  	s31 =	sadd.s32 $0xFFFFFFFF, s11;
	s17 =	sxor.u32 @!p1 $0xFFFFFFFF, s11;
	s14 =	sshrl.u32 @!p1 s14, $0xC  }
0x30: {  	s17 =	sshll.u32 @!p1 s17, $0xE;
	s14 =	sand.u32 @!p1 $0xFFF, s14;
	s15 =	ssub.s32 @!p1 s15, s16  }
0x31: {  	s14 =	smul.u32 @!p1 $0x640, s14;
	s16 =	sshrl.u32 @!p1 s15, $0x3;
	s15 =	sand.u32 @!p1 $0x7, s15  }
0x32: {  	s17 =	sand.u32 @!p1 $0x4000, s17;
	s16 =	sadd.s32 @!p1 s6, s16;
	s15 =	sshll.u32 @!p1 s15, $0x12  }
0x33: {  	s14 =	sadd.s32 @!p1 s14, s16;
	s15 =	sor.u32 @!p1 $0x400, s15;
	s16 =	simm.s32 @!p1 $0x19000  }
0x34: {  	[tilespmem:s17], [sflag:$0x1] =	stream.strided.gather @!p1 [hbm4b:s14+s15], $0x4000, s16, s15, $0x38;
	[tilespmem:$0x10100] =	vst v63  }
0x35: {  	p1 =	sge.u32 s31, s5  }
.Ltmp2:
0x36: {  	_ = 	snop;
	(pc) =	sbr.rel @p1 .LBB1_5-.Ltmp2, $1  }
0x37: {  	_ =	sdelay $0x3  }
0x38: {  	s14 =	simm.s32 $0x1  }
0x39: {  	_ =	swait.ge [sflag:s4], $0x4000;
	s14 =	simm.s32 @!p0 $0x0  }
0x3a: {  	[sflag:s4] =	ssyncset.done $0x0;
	s15 =	sshll.u32 s14, $0xE  }
0x3b: {  	[sflag:s4] =	ssyncadd.s32 $0xFFFFC000;
	s17 =	sor.u32 $0x40, s15  }
0x3c: {  	s14 =	smul.u32 $0x10200, s14;
	v0 =	vld [tilespmem:s17+$0x30]  }
0x3d: {  	v1 =	vld [tilespmem:s17+$0xFFFFFFD0]  }
0x3e: {  	s14 =	sshrl.u32 s14, $0x2;
	v5 =	vld [tilespmem:s17+$0xFFFFFFE0]  }
0x3f: {  	v6 =	vld [tilespmem:s17+$0xFFFFFFF0];
	s15 =	sor.u32 $0x8000, s14  }
0x40: {  	s31 =	sand.u32 $0x1, s11;
	v4 =	vld [tilespmem:s17+$0x0];
	s16 =	sadd.s32 $0x0, s15  }
0x41: {  	v3 =	vld [tilespmem:s17+$0x10];
	s14 =	smul.u32 $0x10200, s31;
	[tilespmem:s16+$0x3870 ss:$0x81] =	vst.msk $0xffff, v0  }
0x42: {  	v2 =	vld [tilespmem:s17+$0x20];
	[tilespmem:s16+$0x810 ss:$0x81] =	vst.msk $0xffff, v1  }
0x43: {  	s14 =	sshrl.u32 s14, $0x2;
	v0 =	vld [tilespmem:s17+$0xFFFFFFC0];
	[tilespmem:s16+$0x1020 ss:$0x81] =	vst.msk $0xffff, v5;
	s17 =	sadd.s32 $0x80, s17  }
0x44: {  	s18 =	simm.s32 $0x4;
	s19 =	simm.s32 $0x8;
	s14 =	sor.u32 $0x8000, s14;
	[tilespmem:s16+$0x1830 ss:$0x81] =	vst.msk $0xffff, v6;
	v1 =	vld [tilespmem:s17+$0x30]  }
.LBB1_3:
0x45: {  	p1 =	sne.s32 s19, $0x1FC;
	v5 =	vld [tilespmem:s17+$0xFFFFFFD0];
	[tilespmem:s16+$0x2040 ss:$0x81] =	vst.msk $0xffff, v4  }
0x46: {  	v6 =	vld [tilespmem:s17+$0xFFFFFFE0];
	[tilespmem:s16+$0x2850 ss:$0x81] =	vst.msk $0xffff, v3  }
0x47: {  	s20 =	sshra.s32 s18, $0x2;
	s18 =	smov.u32 s19;
	v7 =	vld [tilespmem:s17+$0xFFFFFFF0];
	[tilespmem:s16+$0x3060 ss:$0x81] =	vst.msk $0xffff, v2  }
.Ltmp3:
0x48: {  	v4 =	vld [tilespmem:s17+$0x0];
	[tilespmem:s16+$0x0 ss:$0x81] =	vst.msk $0xffff, v0;
	s16 =	sadd.s32 s20, s15;
	(pc) =	sbr.rel @p1 .LBB1_3-.Ltmp3, $4  }
0x49: {  	v3 =	vld [tilespmem:s17+$0x10];
	[tilespmem:s16+$0x3870 ss:$0x81] =	vst.msk $0xffff, v1  }
0x4a: {  	[tilespmem:s16+$0x810 ss:$0x81] =	vst.msk $0xffff, v5;
	v2 =	vld [tilespmem:s17+$0x20]  }
0x4b: {  	v0 =	vld [tilespmem:s17+$0xFFFFFFC0];
	[tilespmem:s16+$0x1020 ss:$0x81] =	vst.msk $0xffff, v6;
	s17 =	sadd.s32 $0x80, s17  }
0x4c: {  	s19 =	sadd.s32 $0x4, s19;
	v1 =	vld [tilespmem:s17+$0x30];
	[tilespmem:s16+$0x1830 ss:$0x81] =	vst.msk $0xffff, v7  }
.Ltmp4:
0x4d: {  	_ = 	snop;
	(pc) =	sbr.rel .LBB1_4-.Ltmp4, $1  }
0x4e: {  	_ =	sdelay $0x3  }
.LBB1_6:
0x4f: {  	_ =	sfence.sel $0x180000  }
0x50: {  	s2 =	simm.s32 $0x1;
	[bflag:$0x0] =	sbarrier.arrive $0xFFFF  }
0x51: {  	s31 =	simm.s32 $0x2;
	[sflag:s2] =	ssyncpa.u1 $0x1  }
0x52: {  	[sflag:s31] =	ssyncpa.u1 $0x1  }
0x53: {  	p0 =	sne.s32 s0, $0x0;
	_ =	strace $0x90000047  }
0x54: {  	s0 =	sadd.s32 @!p0 $0x100000, s1;
	[bflag:$0x2] =	sbarrier.arrive $0xFFFF  }
0x55: {  	[sflag:s0] =	ssyncadd.tile.s32 @!p0 $0x1;
	_ =	shalt  }
.Lfunc_end1:
_tile_overlayer_lowered:
.L_overlay_start_2:
0x56: {  	(tag) =	ssettag $0x2  }
0x57: {  	s0 =	rddreg [dreg:$0x0];
	s2 =	stileid.u32  }
0x58: {  	s1 =	rddreg [dreg:$0x1];
	p0 =	sne.s32 s2, $0x0  }
0x59: {  	s3 =	rddreg [dreg:$0x2];
	[bflag:$0x3] =	sbarrier.arrive $0xFFFF;
	s2 =	simm.s32 @!p0 $0x1C01  }
0x5a: {  	[timem:s3], [sflag:s2] =	dma.local @!p0 [hbm:s0], s1  }
0x5b: {  	s0 =	simm.s32 @!p0 $0x1  }
0x5c: {  	_ =	swait.ge @!p0 [sflag:s0], s1  }
0x5d: {  	s1 =	ssub.s32 @!p0 $0x0, s1;
	[sflag:s0] =	ssyncset.done @!p0 $0x0  }
0x5e: {  	[sflag:s0] =	ssyncadd.s32 @!p0 s1  }
0x5f: {  	[bflag:$0x3] =	sbarrier.arrive $0xFFFF  }
0x60: {  	_ =	shalt  }

</sc_bundles>
